<compile_context>
chip_gen: v7x
topology: tpu7x:2x2x1
jax: 0.10.2.dev20260603
libtpu: 0.0.44.dev20260713+nightly
codegen_flags: <defaults>
</compile_context>

<pallas_src>
import functools

import jax
import jax.numpy as jnp
from jax import lax
from jax.experimental import pallas as pl
from jax.experimental.pallas import tpu as pltpu
from jax.experimental.pallas import tpu_sc as plsc

VOCAB = 100000
EMBED = 64
MAX_LEN = 200
BATCH = 4096

NUM_CORES = 2
NUM_SUBCORES = 16
NUM_WORKERS = NUM_CORES * NUM_SUBCORES
SEQ_PER_W = BATCH // NUM_WORKERS
HALF = MAX_LEN // 2


def _sc_embed(seq2d, token_table, pos_table):
    mesh = plsc.VectorSubcoreMesh(core_axis_name="c", subcore_axis_name="s")

    @functools.partial(
        pl.kernel,
        mesh=mesh,
        out_type=jax.ShapeDtypeStruct((BATCH * MAX_LEN, EMBED), jnp.float32),
        scratch_types=[
            pltpu.VMEM((2 * SEQ_PER_W, HALF), jnp.int32),
            pltpu.VMEM((MAX_LEN, EMBED), jnp.float32),
            pltpu.VMEM((MAX_LEN, EMBED), jnp.float32),
            pltpu.VMEM((MAX_LEN, EMBED), jnp.float32),
            pltpu.SemaphoreType.DMA,
            pltpu.SemaphoreType.DMA,
        ],
        compiler_params=pltpu.CompilerParams(use_tc_tiling_on_sc=False),
    )
    def k(seq_hbm, tok_hbm, pos_hbm, out_hbm, idx_v, pos_v, buf_a, buf_b,
          sem_a, sem_b):
        wid = lax.axis_index("s") * NUM_CORES + lax.axis_index("c")
        pltpu.sync_copy(pos_hbm, pos_v)
        pltpu.sync_copy(seq_hbm.at[pl.ds(wid * 2 * SEQ_PER_W, 2 * SEQ_PER_W)],
                        idx_v)
        out_base = wid * SEQ_PER_W * MAX_LEN

        def gather(s, buf, sem):
            pltpu.async_copy(tok_hbm.at[idx_v.at[2 * s]],
                             buf.at[pl.ds(0, HALF)], sem)
            pltpu.async_copy(tok_hbm.at[idx_v.at[2 * s + 1]],
                             buf.at[pl.ds(HALF, HALF)], sem)

        def wait_gathers(buf, sem):
            pltpu.make_async_copy(tok_hbm.at[pl.ds(0, MAX_LEN)], buf, sem).wait()

        def add_pos(buf):
            def add_body(i, c):
                for j in range(EMBED // 16):
                    sl = pl.ds(j * 16, 16)
                    plsc.addupdate(buf.at[i, sl], pos_v[i, sl])
                return c

            lax.fori_loop(0, MAX_LEN, add_body, 0)

        def write_out(s, buf):
            pltpu.sync_copy(buf,
                            out_hbm.at[pl.ds(out_base + s * MAX_LEN, MAX_LEN)])

        gather(0, buf_a, sem_a)
        gather(1, buf_b, sem_b)

        def body(t, c):
            s0 = 2 * t
            s1 = 2 * t + 1
            wait_gathers(buf_a, sem_a)
            add_pos(buf_a)
            write_out(s0, buf_a)
            sn0 = jnp.where(s0 + 2 < SEQ_PER_W, s0 + 2, 0)
            gather(sn0, buf_a, sem_a)
            wait_gathers(buf_b, sem_b)
            add_pos(buf_b)
            write_out(s1, buf_b)
            sn1 = jnp.where(s1 + 2 < SEQ_PER_W, s1 + 2, 1)
            gather(sn1, buf_b, sem_b)
            return c

        lax.fori_loop(0, SEQ_PER_W // 2, body, 0)
        wait_gathers(buf_a, sem_a)
        wait_gathers(buf_b, sem_b)

    return k(seq2d, token_table, pos_table)


def kernel(sequence, token_table, pos_table):
    seq2d = sequence.reshape(2 * BATCH, HALF).astype(jnp.int32)
    out = _sc_embed(seq2d, token_table, pos_table)
    return out.reshape(BATCH, MAX_LEN, EMBED)

# --- scband reference (transcript-rebuilt; emitter-appended) ---
"""Pipeline reference for scband-bertembedding-48945447305261 (READ-ONLY COPY).

The authoritative reference and input builder live on the scoring server;
editing this copy changes nothing except your own understanding.
"""

import jax, jax.numpy as jnp
import numpy as np

VOCAB = 100000
EMBED = 64
MAX_LEN = 200
BATCH = 4096

def setup_inputs(seed: int = 0) -> dict:
    key = jax.random.key(seed)
    k1, k2, k3 = jax.random.split(key, 3)
    sequence = jax.random.randint(k1, (BATCH, MAX_LEN), 0, VOCAB, dtype=jnp.int64 if jax.config.jax_enable_x64 else jnp.int32)
    token_table = jax.random.normal(k2, (VOCAB, EMBED), dtype=jnp.float32) * 0.02
    # padding_idx=0 in nn.Embedding -> row 0 is zeros
    token_table = token_table.at[0].set(0.0)
    # learned positional embedding (BERT4Rec-style): nn.Embedding(max_len, d_model)
    pos_table = jax.random.normal(k3, (MAX_LEN, EMBED), dtype=jnp.float32) * 0.02
    return {"sequence": sequence, "token_table": token_table, "pos_table": pos_table}

def reference(sequence, token_table, pos_table):
    # token embedding: gather rows from token_table
    tok = jnp.take(token_table, sequence, axis=0)           # [B, L, D]
    # positional embedding: same positions for every batch element
    pos = pos_table[None, :sequence.shape[1], :]             # [1, L, D]
    x = tok + pos
    # dropout is identity in eval / reference mode
    return x

if __name__ == "__main__":
    import jax
    _d = setup_inputs()
    print(jax.jit(kernel)(*tuple(_d.values())))

</pallas_src>

<mosaic_0001>
#map = affine_map<(d0, d1) -> (0, 0)>
module attributes {stable_mosaic.version = 14 : i64} {
  func.func @k(%arg0: i32, %arg1: i32, %arg2: memref<8192x100xi32, #tpu.memory_space<hbm>>, %arg3: memref<100000x64xf32, #tpu.memory_space<hbm>>, %arg4: memref<200x64xf32, #tpu.memory_space<hbm>>, %arg5: memref<819200x64xf32, #tpu.memory_space<hbm>>, %arg6: memref<256x100xi32, #tpu.memory_space<vmem>>, %arg7: memref<200x64xf32, #tpu.memory_space<vmem>>, %arg8: memref<200x64xf32, #tpu.memory_space<vmem>>, %arg9: memref<200x64xf32, #tpu.memory_space<vmem>>, %arg10: memref<!tpu.dma_semaphore, #tpu.memory_space<semaphore_mem>>, %arg11: memref<!tpu.dma_semaphore, #tpu.memory_space<semaphore_mem>>) attributes {dimension_semantics = [#tpu.dimension_semantics<core_parallel>, #tpu.dimension_semantics<subcore_parallel>], iteration_bounds = array<i64: 2, 16>, scalar_prefetch = 0 : i64, scratch_operands = 6 : i64, tpu.core_type = #tpu.core_type<sc_vector_subcore>, window_params = [{transform_indices = #map}, {transform_indices = #map}, {transform_indices = #map}, {transform_indices = #map}]} {
    %mul3A = arith.constant 2 : i32
    %mul3A_0 = arith.muli %arg1, %mul3A : i32
    %add3A = arith.addi %mul3A_0, %arg0 : i32
    "tpu.region"() ({
      %run_scoped3A = tpu.sem_alloc : memref<!tpu.dma_semaphore, #tpu.memory_space<semaphore_mem>>
      tpu.enqueue_dma source(%arg4 : memref<200x64xf32, #tpu.memory_space<hbm>>) target(%arg7 : memref<200x64xf32, #tpu.memory_space<vmem>>) target_semaphore(%run_scoped3A : memref<!tpu.dma_semaphore, #tpu.memory_space<semaphore_mem>>)
      tpu.wait_dma2 semaphore(%run_scoped3A : memref<!tpu.dma_semaphore, #tpu.memory_space<semaphore_mem>>) src(%arg4 : memref<200x64xf32, #tpu.memory_space<hbm>>) dst(%arg7 : memref<200x64xf32, #tpu.memory_space<vmem>>)
      tpu.yield
    }) : () -> ()
    %mul3A_1 = arith.constant 2 : i32
    %mul3A_2 = arith.muli %add3A, %mul3A_1 : i32
    %mul3A_3 = arith.constant 128 : i32
    %mul3A_4 = arith.muli %mul3A_2, %mul3A_3 : i32
    "tpu.region"() ({
      %run_scoped3A = tpu.sem_alloc : memref<!tpu.dma_semaphore, #tpu.memory_space<semaphore_mem>>
      %dma_start3A_64 = arith.constant 0 : i32
      %dma_start3A_65 = tpu.memref_slice %arg2[%mul3A_4, %dma_start3A_64] : memref<8192x100xi32, #tpu.memory_space<hbm>> -> memref<256x100xi32, #tpu.memory_space<hbm>>
      %dma_start3A_66 = arith.constant 0 : i32
      %dma_start3A_67 = tpu.memref_slice %arg2[%mul3A_4, %dma_start3A_66] : memref<8192x100xi32, #tpu.memory_space<hbm>> -> memref<256x100xi32, #tpu.memory_space<hbm>>
      tpu.enqueue_dma source(%dma_start3A_67 : memref<256x100xi32, #tpu.memory_space<hbm>>) target(%arg6 : memref<256x100xi32, #tpu.memory_space<vmem>>) target_semaphore(%run_scoped3A : memref<!tpu.dma_semaphore, #tpu.memory_space<semaphore_mem>>)
      %dma_wait3A_68 = arith.constant 0 : i32
      %dma_wait3A_69 = tpu.memref_slice %arg2[%mul3A_4, %dma_wait3A_68] : memref<8192x100xi32, #tpu.memory_space<hbm>> -> memref<256x100xi32, #tpu.memory_space<hbm>>
      %dma_wait3A_70 = arith.constant 0 : i32
      %dma_wait3A_71 = tpu.memref_slice %arg2[%mul3A_4, %dma_wait3A_70] : memref<8192x100xi32, #tpu.memory_space<hbm>> -> memref<256x100xi32, #tpu.memory_space<hbm>>
      tpu.wait_dma2 semaphore(%run_scoped3A : memref<!tpu.dma_semaphore, #tpu.memory_space<semaphore_mem>>) src(%dma_wait3A_71 : memref<256x100xi32, #tpu.memory_space<hbm>>) dst(%arg6 : memref<256x100xi32, #tpu.memory_space<vmem>>)
      tpu.yield
    }) : () -> ()
    %mul3A_5 = arith.constant 128 : i32
    %mul3A_6 = arith.muli %add3A, %mul3A_5 : i32
    %mul3A_7 = arith.constant 200 : i32
    %mul3A_8 = arith.muli %mul3A_6, %mul3A_7 : i32
    %dma_start3A = arith.constant 0 : i32
    %dma_start3A_9 = arith.constant 0 : i32
    %dma_start3A_10 = arith.constant 0 : i32
    %dma_start3A_11 = tpu.memref_slice %arg8[%dma_start3A_9, %dma_start3A_10] : memref<200x64xf32, #tpu.memory_space<vmem>> -> memref<100x64xf32, #tpu.memory_space<vmem>>
    %dma_start3A_12 = arith.constant 0 : i32
    %dma_start3A_13 = tpu.memref_slice %arg6[%dma_start3A, %dma_start3A_12] : memref<256x100xi32, #tpu.memory_space<vmem>> -> memref<1x100xi32, #tpu.memory_space<vmem>>
    %dma_start3A_14 = tpu.memref_squeeze %dma_start3A_13 : memref<1x100xi32, #tpu.memory_space<vmem>> -> memref<100xi32, #tpu.memory_space<vmem>>
    %dma_start3A_15 = arith.constant 0 : i32
    %dma_start3A_16 = arith.constant 0 : i32
    %dma_start3A_17 = tpu.memref_slice %arg3[%dma_start3A_15, %dma_start3A_16] : memref<100000x64xf32, #tpu.memory_space<hbm>> -> memref<100000x64xf32, #tpu.memory_space<hbm>>
    tpu.enqueue_indirect_dma source(%dma_start3A_17 : memref<100000x64xf32, #tpu.memory_space<hbm>>) target(%dma_start3A_11 : memref<100x64xf32, #tpu.memory_space<vmem>>) offsets(%dma_start3A_14 : memref<100xi32, #tpu.memory_space<vmem>>) semaphore(%arg10 : memref<!tpu.dma_semaphore, #tpu.memory_space<semaphore_mem>>)
    %dma_start3A_18 = arith.constant 1 : i32
    %dma_start3A_19 = arith.constant 100 : i32
    %dma_start3A_20 = arith.constant 0 : i32
    %dma_start3A_21 = tpu.memref_slice %arg8[%dma_start3A_19, %dma_start3A_20] : memref<200x64xf32, #tpu.memory_space<vmem>> -> memref<100x64xf32, #tpu.memory_space<vmem>>
    %dma_start3A_22 = arith.constant 0 : i32
    %dma_start3A_23 = tpu.memref_slice %arg6[%dma_start3A_18, %dma_start3A_22] : memref<256x100xi32, #tpu.memory_space<vmem>> -> memref<1x100xi32, #tpu.memory_space<vmem>>
    %dma_start3A_24 = tpu.memref_squeeze %dma_start3A_23 : memref<1x100xi32, #tpu.memory_space<vmem>> -> memref<100xi32, #tpu.memory_space<vmem>>
    %dma_start3A_25 = arith.constant 0 : i32
    %dma_start3A_26 = arith.constant 0 : i32
    %dma_start3A_27 = tpu.memref_slice %arg3[%dma_start3A_25, %dma_start3A_26] : memref<100000x64xf32, #tpu.memory_space<hbm>> -> memref<100000x64xf32, #tpu.memory_space<hbm>>
    tpu.enqueue_indirect_dma source(%dma_start3A_27 : memref<100000x64xf32, #tpu.memory_space<hbm>>) target(%dma_start3A_21 : memref<100x64xf32, #tpu.memory_space<vmem>>) offsets(%dma_start3A_24 : memref<100xi32, #tpu.memory_space<vmem>>) semaphore(%arg10 : memref<!tpu.dma_semaphore, #tpu.memory_space<semaphore_mem>>)
    %dma_start3A_28 = arith.constant 2 : i32
    %dma_start3A_29 = arith.constant 0 : i32
    %dma_start3A_30 = arith.constant 0 : i32
    %dma_start3A_31 = tpu.memref_slice %arg9[%dma_start3A_29, %dma_start3A_30] : memref<200x64xf32, #tpu.memory_space<vmem>> -> memref<100x64xf32, #tpu.memory_space<vmem>>
    %dma_start3A_32 = arith.constant 0 : i32
    %dma_start3A_33 = tpu.memref_slice %arg6[%dma_start3A_28, %dma_start3A_32] : memref<256x100xi32, #tpu.memory_space<vmem>> -> memref<1x100xi32, #tpu.memory_space<vmem>>
    %dma_start3A_34 = tpu.memref_squeeze %dma_start3A_33 : memref<1x100xi32, #tpu.memory_space<vmem>> -> memref<100xi32, #tpu.memory_space<vmem>>
    %dma_start3A_35 = arith.constant 0 : i32
    %dma_start3A_36 = arith.constant 0 : i32
    %dma_start3A_37 = tpu.memref_slice %arg3[%dma_start3A_35, %dma_start3A_36] : memref<100000x64xf32, #tpu.memory_space<hbm>> -> memref<100000x64xf32, #tpu.memory_space<hbm>>
    tpu.enqueue_indirect_dma source(%dma_start3A_37 : memref<100000x64xf32, #tpu.memory_space<hbm>>) target(%dma_start3A_31 : memref<100x64xf32, #tpu.memory_space<vmem>>) offsets(%dma_start3A_34 : memref<100xi32, #tpu.memory_space<vmem>>) semaphore(%arg11 : memref<!tpu.dma_semaphore, #tpu.memory_space<semaphore_mem>>)
    %dma_start3A_38 = arith.constant 3 : i32
    %dma_start3A_39 = arith.constant 100 : i32
    %dma_start3A_40 = arith.constant 0 : i32
    %dma_start3A_41 = tpu.memref_slice %arg9[%dma_start3A_39, %dma_start3A_40] : memref<200x64xf32, #tpu.memory_space<vmem>> -> memref<100x64xf32, #tpu.memory_space<vmem>>
    %dma_start3A_42 = arith.constant 0 : i32
    %dma_start3A_43 = tpu.memref_slice %arg6[%dma_start3A_38, %dma_start3A_42] : memref<256x100xi32, #tpu.memory_space<vmem>> -> memref<1x100xi32, #tpu.memory_space<vmem>>
    %dma_start3A_44 = tpu.memref_squeeze %dma_start3A_43 : memref<1x100xi32, #tpu.memory_space<vmem>> -> memref<100xi32, #tpu.memory_space<vmem>>
    %dma_start3A_45 = arith.constant 0 : i32
    %dma_start3A_46 = arith.constant 0 : i32
    %dma_start3A_47 = tpu.memref_slice %arg3[%dma_start3A_45, %dma_start3A_46] : memref<100000x64xf32, #tpu.memory_space<hbm>> -> memref<100000x64xf32, #tpu.memory_space<hbm>>
    tpu.enqueue_indirect_dma source(%dma_start3A_47 : memref<100000x64xf32, #tpu.memory_space<hbm>>) target(%dma_start3A_41 : memref<100x64xf32, #tpu.memory_space<vmem>>) offsets(%dma_start3A_44 : memref<100xi32, #tpu.memory_space<vmem>>) semaphore(%arg11 : memref<!tpu.dma_semaphore, #tpu.memory_space<semaphore_mem>>)
    %scan3A = arith.constant 0 : i32
    %scan3A_48 = arith.constant 0 : i32
    %scan3A_49 = arith.constant 64 : i32
    %scan3A_50 = arith.addi %scan3A_48, %scan3A_49 : i32
    %scan3A_51 = arith.constant 1 : i32
    scf.for %scan3A_64 = %scan3A_48 to %scan3A_50 step %scan3A_51  : i32 {
      %mul3A_65 = arith.constant 2 : i32
      %mul3A_66 = arith.muli %mul3A_65, %scan3A_64 : i32
      %mul3A_67 = arith.constant 2 : i32
      %mul3A_68 = arith.muli %mul3A_67, %scan3A_64 : i32
      %add3A_69 = arith.constant 1 : i32
      %add3A_70 = arith.addi %mul3A_68, %add3A_69 : i32
      %dma_wait3A_71 = arith.constant 0 : i32
      %dma_wait3A_72 = arith.constant 0 : i32
      %dma_wait3A_73 = tpu.memref_slice %arg3[%dma_wait3A_71, %dma_wait3A_72] : memref<100000x64xf32, #tpu.memory_space<hbm>> -> memref<200x64xf32, #tpu.memory_space<hbm>>
      %dma_wait3A_74 = arith.constant 0 : i32
      %dma_wait3A_75 = arith.constant 0 : i32
      %dma_wait3A_76 = tpu.memref_slice %arg3[%dma_wait3A_74, %dma_wait3A_75] : memref<100000x64xf32, #tpu.memory_space<hbm>> -> memref<200x64xf32, #tpu.memory_space<hbm>>
      tpu.wait_dma2 semaphore(%arg10 : memref<!tpu.dma_semaphore, #tpu.memory_space<semaphore_mem>>) src(%dma_wait3A_76 : memref<200x64xf32, #tpu.memory_space<hbm>>) dst(%arg8 : memref<200x64xf32, #tpu.memory_space<vmem>>)
      %scan3A_77 = arith.constant 0 : i32
      %scan3A_78 = arith.constant 0 : i32
      %scan3A_79 = arith.constant 200 : i32
      %scan3A_80 = arith.addi %scan3A_78, %scan3A_79 : i32
      %scan3A_81 = arith.constant 1 : i32
      scf.for %scan3A_162 = %scan3A_78 to %scan3A_80 step %scan3A_81  : i32 {
        %get3A = arith.index_cast %scan3A_162 : i32 to index
        %get3A_163 = arith.constant 0 : index
        %get3A_164 = tpu.vector_load %arg7[%get3A, %get3A_163] {strides = array<i32>} : memref<200x64xf32, #tpu.memory_space<vmem>>, vector<1x16xf32>,
        %get3A_165 = vector.shape_cast %get3A_164 : vector<1x16xf32> to vector<16xf32>
        %swap3A = arith.index_cast %scan3A_162 : i32 to index
        %swap3A_166 = arith.constant 0 : index
        %swap3A_167 = tpu.vector_load %arg8[%swap3A, %swap3A_166] {strides = array<i32>} : memref<200x64xf32, #tpu.memory_space<vmem>>, vector<1x16xf32>,
        %swap3A_168 = vector.shape_cast %swap3A_167 : vector<1x16xf32> to vector<16xf32>
        %swap3A_169 = vector.shape_cast %get3A_165 : vector<16xf32> to vector<1x16xf32>
        tpu.vector_store %arg8[%swap3A, %swap3A_166], %swap3A_169 {add = true, strides = array<i32>} : memref<200x64xf32, #tpu.memory_space<vmem>>, vector<1x16xf32>,
        %get3A_170 = arith.index_cast %scan3A_162 : i32 to index
        %get3A_171 = arith.constant 16 : index
        %get3A_172 = tpu.vector_load %arg7[%get3A_170, %get3A_171] {strides = array<i32>} : memref<200x64xf32, #tpu.memory_space<vmem>>, vector<1x16xf32>,
        %get3A_173 = vector.shape_cast %get3A_172 : vector<1x16xf32> to vector<16xf32>
        %swap3A_174 = arith.index_cast %scan3A_162 : i32 to index
        %swap3A_175 = arith.constant 16 : index
        %swap3A_176 = tpu.vector_load %arg8[%swap3A_174, %swap3A_175] {strides = array<i32>} : memref<200x64xf32, #tpu.memory_space<vmem>>, vector<1x16xf32>,
        %swap3A_177 = vector.shape_cast %swap3A_176 : vector<1x16xf32> to vector<16xf32>
        %swap3A_178 = vector.shape_cast %get3A_173 : vector<16xf32> to vector<1x16xf32>
        tpu.vector_store %arg8[%swap3A_174, %swap3A_175], %swap3A_178 {add = true, strides = array<i32>} : memref<200x64xf32, #tpu.memory_space<vmem>>, vector<1x16xf32>,
        %get3A_179 = arith.index_cast %scan3A_162 : i32 to index
        %get3A_180 = arith.constant 32 : index
        %get3A_181 = tpu.vector_load %arg7[%get3A_179, %get3A_180] {strides = array<i32>} : memref<200x64xf32, #tpu.memory_space<vmem>>, vector<1x16xf32>,
        %get3A_182 = vector.shape_cast %get3A_181 : vector<1x16xf32> to vector<16xf32>
        %swap3A_183 = arith.index_cast %scan3A_162 : i32 to index
        %swap3A_184 = arith.constant 32 : index
        %swap3A_185 = tpu.vector_load %arg8[%swap3A_183, %swap3A_184] {strides = array<i32>} : memref<200x64xf32, #tpu.memory_space<vmem>>, vector<1x16xf32>,
        %swap3A_186 = vector.shape_cast %swap3A_185 : vector<1x16xf32> to vector<16xf32>
        %swap3A_187 = vector.shape_cast %get3A_182 : vector<16xf32> to vector<1x16xf32>
        tpu.vector_store %arg8[%swap3A_183, %swap3A_184], %swap3A_187 {add = true, strides = array<i32>} : memref<200x64xf32, #tpu.memory_space<vmem>>, vector<1x16xf32>,
        %get3A_188 = arith.index_cast %scan3A_162 : i32 to index
        %get3A_189 = arith.constant 48 : index
        %get3A_190 = tpu.vector_load %arg7[%get3A_188, %get3A_189] {strides = array<i32>} : memref<200x64xf32, #tpu.memory_space<vmem>>, vector<1x16xf32>,
        %get3A_191 = vector.shape_cast %get3A_190 : vector<1x16xf32> to vector<16xf32>
        %swap3A_192 = arith.index_cast %scan3A_162 : i32 to index
        %swap3A_193 = arith.constant 48 : index
        %swap3A_194 = tpu.vector_load %arg8[%swap3A_192, %swap3A_193] {strides = array<i32>} : memref<200x64xf32, #tpu.memory_space<vmem>>, vector<1x16xf32>,
        %swap3A_195 = vector.shape_cast %swap3A_194 : vector<1x16xf32> to vector<16xf32>
        %swap3A_196 = vector.shape_cast %get3A_191 : vector<16xf32> to vector<1x16xf32>
        tpu.vector_store %arg8[%swap3A_192, %swap3A_193], %swap3A_196 {add = true, strides = array<i32>} : memref<200x64xf32, #tpu.memory_space<vmem>>, vector<1x16xf32>,
      }
      %scan3A_82 = arith.constant 200 : i32
      %mul3A_83 = arith.constant 200 : i32
      %mul3A_84 = arith.muli %mul3A_66, %mul3A_83 : i32
      %add3A_85 = arith.addi %mul3A_8, %mul3A_84 : i32
      "tpu.region"() ({
        %run_scoped3A = tpu.sem_alloc : memref<!tpu.dma_semaphore, #tpu.memory_space<semaphore_mem>>
        %dma_start3A_162 = arith.constant 0 : i32
        %dma_start3A_163 = tpu.memref_slice %arg5[%add3A_85, %dma_start3A_162] : memref<819200x64xf32, #tpu.memory_space<hbm>> -> memref<200x64xf32, #tpu.memory_space<hbm>>
        %dma_start3A_164 = arith.constant 0 : i32
        %dma_start3A_165 = tpu.memref_slice %arg5[%add3A_85, %dma_start3A_164] : memref<819200x64xf32, #tpu.memory_space<hbm>> -> memref<200x64xf32, #tpu.memory_space<hbm>>
        tpu.enqueue_dma source(%arg8 : memref<200x64xf32, #tpu.memory_space<vmem>>) target(%dma_start3A_165 : memref<200x64xf32, #tpu.memory_space<hbm>>) target_semaphore(%run_scoped3A : memref<!tpu.dma_semaphore, #tpu.memory_space<semaphore_mem>>)
        %dma_wait3A_166 = arith.constant 0 : i32
        %dma_wait3A_167 = tpu.memref_slice %arg5[%add3A_85, %dma_wait3A_166] : memref<819200x64xf32, #tpu.memory_space<hbm>> -> memref<200x64xf32, #tpu.memory_space<hbm>>
        %dma_wait3A_168 = arith.constant 0 : i32
        %dma_wait3A_169 = tpu.memref_slice %arg5[%add3A_85, %dma_wait3A_168] : memref<819200x64xf32, #tpu.memory_space<hbm>> -> memref<200x64xf32, #tpu.memory_space<hbm>>
        tpu.wait_dma2 semaphore(%run_scoped3A : memref<!tpu.dma_semaphore, #tpu.memory_space<semaphore_mem>>) src(%arg8 : memref<200x64xf32, #tpu.memory_space<vmem>>) dst(%dma_wait3A_169 : memref<200x64xf32, #tpu.memory_space<hbm>>)
        tpu.yield
      }) : () -> ()
      %add3A_86 = arith.constant 2 : i32
      %add3A_87 = arith.addi %mul3A_66, %add3A_86 : i32
      %lt3A = arith.constant 128 : i32
      %lt3A_88 = arith.cmpi slt, %add3A_87, %lt3A : i32
      %add3A_89 = arith.constant 2 : i32
      %add3A_90 = arith.addi %mul3A_66, %add3A_89 : i32
      %jit3A = arith.constant 0 : i32
      %select_n3A = arith.select %lt3A_88, %add3A_90, %jit3A : i32
      %mul3A_91 = arith.constant 2 : i32
      %mul3A_92 = arith.muli %mul3A_91, %select_n3A : i32
      %dma_start3A_93 = arith.constant 0 : i32
      %dma_start3A_94 = arith.constant 0 : i32
      %dma_start3A_95 = tpu.memref_slice %arg8[%dma_start3A_93, %dma_start3A_94] : memref<200x64xf32, #tpu.memory_space<vmem>> -> memref<100x64xf32, #tpu.memory_space<vmem>>
      %dma_start3A_96 = arith.constant 0 : i32
      %dma_start3A_97 = tpu.memref_slice %arg6[%mul3A_92, %dma_start3A_96] : memref<256x100xi32, #tpu.memory_space<vmem>> -> memref<1x100xi32, #tpu.memory_space<vmem>>
      %dma_start3A_98 = tpu.memref_squeeze %dma_start3A_97 : memref<1x100xi32, #tpu.memory_space<vmem>> -> memref<100xi32, #tpu.memory_space<vmem>>
      %dma_start3A_99 = arith.constant 0 : i32
      %dma_start3A_100 = arith.constant 0 : i32
      %dma_start3A_101 = tpu.memref_slice %arg3[%dma_start3A_99, %dma_start3A_100] : memref<100000x64xf32, #tpu.memory_space<hbm>> -> memref<100000x64xf32, #tpu.memory_space<hbm>>
      tpu.enqueue_indirect_dma source(%dma_start3A_101 : memref<100000x64xf32, #tpu.memory_space<hbm>>) target(%dma_start3A_95 : memref<100x64xf32, #tpu.memory_space<vmem>>) offsets(%dma_start3A_98 : memref<100xi32, #tpu.memory_space<vmem>>) semaphore(%arg10 : memref<!tpu.dma_semaphore, #tpu.memory_space<semaphore_mem>>)
      %mul3A_102 = arith.constant 2 : i32
      %mul3A_103 = arith.muli %mul3A_102, %select_n3A : i32
      %add3A_104 = arith.constant 1 : i32
      %add3A_105 = arith.addi %mul3A_103, %add3A_104 : i32
      %dma_start3A_106 = arith.constant 100 : i32
      %dma_start3A_107 = arith.constant 0 : i32
      %dma_start3A_108 = tpu.memref_slice %arg8[%dma_start3A_106, %dma_start3A_107] : memref<200x64xf32, #tpu.memory_space<vmem>> -> memref<100x64xf32, #tpu.memory_space<vmem>>
      %dma_start3A_109 = arith.constant 0 : i32
      %dma_start3A_110 = tpu.memref_slice %arg6[%add3A_105, %dma_start3A_109] : memref<256x100xi32, #tpu.memory_space<vmem>> -> memref<1x100xi32, #tpu.memory_space<vmem>>
      %dma_start3A_111 = tpu.memref_squeeze %dma_start3A_110 : memref<1x100xi32, #tpu.memory_space<vmem>> -> memref<100xi32, #tpu.memory_space<vmem>>
      %dma_start3A_112 = arith.constant 0 : i32
      %dma_start3A_113 = arith.constant 0 : i32
      %dma_start3A_114 = tpu.memref_slice %arg3[%dma_start3A_112, %dma_start3A_113] : memref<100000x64xf32, #tpu.memory_space<hbm>> -> memref<100000x64xf32, #tpu.memory_space<hbm>>
      tpu.enqueue_indirect_dma source(%dma_start3A_114 : memref<100000x64xf32, #tpu.memory_space<hbm>>) target(%dma_start3A_108 : memref<100x64xf32, #tpu.memory_space<vmem>>) offsets(%dma_start3A_111 : memref<100xi32, #tpu.memory_space<vmem>>) semaphore(%arg10 : memref<!tpu.dma_semaphore, #tpu.memory_space<semaphore_mem>>)
      %dma_wait3A_115 = arith.constant 0 : i32
      %dma_wait3A_116 = arith.constant 0 : i32
      %dma_wait3A_117 = tpu.memref_slice %arg3[%dma_wait3A_115, %dma_wait3A_116] : memref<100000x64xf32, #tpu.memory_space<hbm>> -> memref<200x64xf32, #tpu.memory_space<hbm>>
      %dma_wait3A_118 = arith.constant 0 : i32
      %dma_wait3A_119 = arith.constant 0 : i32
      %dma_wait3A_120 = tpu.memref_slice %arg3[%dma_wait3A_118, %dma_wait3A_119] : memref<100000x64xf32, #tpu.memory_space<hbm>> -> memref<200x64xf32, #tpu.memory_space<hbm>>
      tpu.wait_dma2 semaphore(%arg11 : memref<!tpu.dma_semaphore, #tpu.memory_space<semaphore_mem>>) src(%dma_wait3A_120 : memref<200x64xf32, #tpu.memory_space<hbm>>) dst(%arg9 : memref<200x64xf32, #tpu.memory_space<vmem>>)
      %scan3A_121 = arith.constant 0 : i32
      %scan3A_122 = arith.constant 0 : i32
      %scan3A_123 = arith.constant 200 : i32
      %scan3A_124 = arith.addi %scan3A_122, %scan3A_123 : i32
      %scan3A_125 = arith.constant 1 : i32
      scf.for %scan3A_162 = %scan3A_122 to %scan3A_124 step %scan3A_125  : i32 {
        %get3A = arith.index_cast %scan3A_162 : i32 to index
        %get3A_163 = arith.constant 0 : index
        %get3A_164 = tpu.vector_load %arg7[%get3A, %get3A_163] {strides = array<i32>} : memref<200x64xf32, #tpu.memory_space<vmem>>, vector<1x16xf32>,
        %get3A_165 = vector.shape_cast %get3A_164 : vector<1x16xf32> to vector<16xf32>
        %swap3A = arith.index_cast %scan3A_162 : i32 to index
        %swap3A_166 = arith.constant 0 : index
        %swap3A_167 = tpu.vector_load %arg9[%swap3A, %swap3A_166] {strides = array<i32>} : memref<200x64xf32, #tpu.memory_space<vmem>>, vector<1x16xf32>,
        %swap3A_168 = vector.shape_cast %swap3A_167 : vector<1x16xf32> to vector<16xf32>
        %swap3A_169 = vector.shape_cast %get3A_165 : vector<16xf32> to vector<1x16xf32>
        tpu.vector_store %arg9[%swap3A, %swap3A_166], %swap3A_169 {add = true, strides = array<i32>} : memref<200x64xf32, #tpu.memory_space<vmem>>, vector<1x16xf32>,
        %get3A_170 = arith.index_cast %scan3A_162 : i32 to index
        %get3A_171 = arith.constant 16 : index
        %get3A_172 = tpu.vector_load %arg7[%get3A_170, %get3A_171] {strides = array<i32>} : memref<200x64xf32, #tpu.memory_space<vmem>>, vector<1x16xf32>,
        %get3A_173 = vector.shape_cast %get3A_172 : vector<1x16xf32> to vector<16xf32>
        %swap3A_174 = arith.index_cast %scan3A_162 : i32 to index
        %swap3A_175 = arith.constant 16 : index
        %swap3A_176 = tpu.vector_load %arg9[%swap3A_174, %swap3A_175] {strides = array<i32>} : memref<200x64xf32, #tpu.memory_space<vmem>>, vector<1x16xf32>,
        %swap3A_177 = vector.shape_cast %swap3A_176 : vector<1x16xf32> to vector<16xf32>
        %swap3A_178 = vector.shape_cast %get3A_173 : vector<16xf32> to vector<1x16xf32>
        tpu.vector_store %arg9[%swap3A_174, %swap3A_175], %swap3A_178 {add = true, strides = array<i32>} : memref<200x64xf32, #tpu.memory_space<vmem>>, vector<1x16xf32>,
        %get3A_179 = arith.index_cast %scan3A_162 : i32 to index
        %get3A_180 = arith.constant 32 : index
        %get3A_181 = tpu.vector_load %arg7[%get3A_179, %get3A_180] {strides = array<i32>} : memref<200x64xf32, #tpu.memory_space<vmem>>, vector<1x16xf32>,
        %get3A_182 = vector.shape_cast %get3A_181 : vector<1x16xf32> to vector<16xf32>
        %swap3A_183 = arith.index_cast %scan3A_162 : i32 to index
        %swap3A_184 = arith.constant 32 : index
        %swap3A_185 = tpu.vector_load %arg9[%swap3A_183, %swap3A_184] {strides = array<i32>} : memref<200x64xf32, #tpu.memory_space<vmem>>, vector<1x16xf32>,
        %swap3A_186 = vector.shape_cast %swap3A_185 : vector<1x16xf32> to vector<16xf32>
        %swap3A_187 = vector.shape_cast %get3A_182 : vector<16xf32> to vector<1x16xf32>
        tpu.vector_store %arg9[%swap3A_183, %swap3A_184], %swap3A_187 {add = true, strides = array<i32>} : memref<200x64xf32, #tpu.memory_space<vmem>>, vector<1x16xf32>,
        %get3A_188 = arith.index_cast %scan3A_162 : i32 to index
        %get3A_189 = arith.constant 48 : index
        %get3A_190 = tpu.vector_load %arg7[%get3A_188, %get3A_189] {strides = array<i32>} : memref<200x64xf32, #tpu.memory_space<vmem>>, vector<1x16xf32>,
        %get3A_191 = vector.shape_cast %get3A_190 : vector<1x16xf32> to vector<16xf32>
        %swap3A_192 = arith.index_cast %scan3A_162 : i32 to index
        %swap3A_193 = arith.constant 48 : index
        %swap3A_194 = tpu.vector_load %arg9[%swap3A_192, %swap3A_193] {strides = array<i32>} : memref<200x64xf32, #tpu.memory_space<vmem>>, vector<1x16xf32>,
        %swap3A_195 = vector.shape_cast %swap3A_194 : vector<1x16xf32> to vector<16xf32>
        %swap3A_196 = vector.shape_cast %get3A_191 : vector<16xf32> to vector<1x16xf32>
        tpu.vector_store %arg9[%swap3A_192, %swap3A_193], %swap3A_196 {add = true, strides = array<i32>} : memref<200x64xf32, #tpu.memory_space<vmem>>, vector<1x16xf32>,
      }
      %scan3A_126 = arith.constant 200 : i32
      %mul3A_127 = arith.constant 200 : i32
      %mul3A_128 = arith.muli %add3A_70, %mul3A_127 : i32
      %add3A_129 = arith.addi %mul3A_8, %mul3A_128 : i32
      "tpu.region"() ({
        %run_scoped3A = tpu.sem_alloc : memref<!tpu.dma_semaphore, #tpu.memory_space<semaphore_mem>>
        %dma_start3A_162 = arith.constant 0 : i32
        %dma_start3A_163 = tpu.memref_slice %arg5[%add3A_129, %dma_start3A_162] : memref<819200x64xf32, #tpu.memory_space<hbm>> -> memref<200x64xf32, #tpu.memory_space<hbm>>
        %dma_start3A_164 = arith.constant 0 : i32
        %dma_start3A_165 = tpu.memref_slice %arg5[%add3A_129, %dma_start3A_164] : memref<819200x64xf32, #tpu.memory_space<hbm>> -> memref<200x64xf32, #tpu.memory_space<hbm>>
        tpu.enqueue_dma source(%arg9 : memref<200x64xf32, #tpu.memory_space<vmem>>) target(%dma_start3A_165 : memref<200x64xf32, #tpu.memory_space<hbm>>) target_semaphore(%run_scoped3A : memref<!tpu.dma_semaphore, #tpu.memory_space<semaphore_mem>>)
        %dma_wait3A_166 = arith.constant 0 : i32
        %dma_wait3A_167 = tpu.memref_slice %arg5[%add3A_129, %dma_wait3A_166] : memref<819200x64xf32, #tpu.memory_space<hbm>> -> memref<200x64xf32, #tpu.memory_space<hbm>>
        %dma_wait3A_168 = arith.constant 0 : i32
        %dma_wait3A_169 = tpu.memref_slice %arg5[%add3A_129, %dma_wait3A_168] : memref<819200x64xf32, #tpu.memory_space<hbm>> -> memref<200x64xf32, #tpu.memory_space<hbm>>
        tpu.wait_dma2 semaphore(%run_scoped3A : memref<!tpu.dma_semaphore, #tpu.memory_space<semaphore_mem>>) src(%arg9 : memref<200x64xf32, #tpu.memory_space<vmem>>) dst(%dma_wait3A_169 : memref<200x64xf32, #tpu.memory_space<hbm>>)
        tpu.yield
      }) : () -> ()
      %add3A_130 = arith.constant 2 : i32
      %add3A_131 = arith.addi %add3A_70, %add3A_130 : i32
      %lt3A_132 = arith.constant 128 : i32
      %lt3A_133 = arith.cmpi slt, %add3A_131, %lt3A_132 : i32
      %add3A_134 = arith.constant 2 : i32
      %add3A_135 = arith.addi %add3A_70, %add3A_134 : i32
      %jit3A_136 = arith.constant 1 : i32
      %select_n3A_137 = arith.select %lt3A_133, %add3A_135, %jit3A_136 : i32
      %mul3A_138 = arith.constant 2 : i32
      %mul3A_139 = arith.muli %mul3A_138, %select_n3A_137 : i32
      %dma_start3A_140 = arith.constant 0 : i32
      %dma_start3A_141 = arith.constant 0 : i32
      %dma_start3A_142 = tpu.memref_slice %arg9[%dma_start3A_140, %dma_start3A_141] : memref<200x64xf32, #tpu.memory_space<vmem>> -> memref<100x64xf32, #tpu.memory_space<vmem>>
      %dma_start3A_143 = arith.constant 0 : i32
      %dma_start3A_144 = tpu.memref_slice %arg6[%mul3A_139, %dma_start3A_143] : memref<256x100xi32, #tpu.memory_space<vmem>> -> memref<1x100xi32, #tpu.memory_space<vmem>>
      %dma_start3A_145 = tpu.memref_squeeze %dma_start3A_144 : memref<1x100xi32, #tpu.memory_space<vmem>> -> memref<100xi32, #tpu.memory_space<vmem>>
      %dma_start3A_146 = arith.constant 0 : i32
      %dma_start3A_147 = arith.constant 0 : i32
      %dma_start3A_148 = tpu.memref_slice %arg3[%dma_start3A_146, %dma_start3A_147] : memref<100000x64xf32, #tpu.memory_space<hbm>> -> memref<100000x64xf32, #tpu.memory_space<hbm>>
      tpu.enqueue_indirect_dma source(%dma_start3A_148 : memref<100000x64xf32, #tpu.memory_space<hbm>>) target(%dma_start3A_142 : memref<100x64xf32, #tpu.memory_space<vmem>>) offsets(%dma_start3A_145 : memref<100xi32, #tpu.memory_space<vmem>>) semaphore(%arg11 : memref<!tpu.dma_semaphore, #tpu.memory_space<semaphore_mem>>)
      %mul3A_149 = arith.constant 2 : i32
      %mul3A_150 = arith.muli %mul3A_149, %select_n3A_137 : i32
      %add3A_151 = arith.constant 1 : i32
      %add3A_152 = arith.addi %mul3A_150, %add3A_151 : i32
      %dma_start3A_153 = arith.constant 100 : i32
      %dma_start3A_154 = arith.constant 0 : i32
      %dma_start3A_155 = tpu.memref_slice %arg9[%dma_start3A_153, %dma_start3A_154] : memref<200x64xf32, #tpu.memory_space<vmem>> -> memref<100x64xf32, #tpu.memory_space<vmem>>
      %dma_start3A_156 = arith.constant 0 : i32
      %dma_start3A_157 = tpu.memref_slice %arg6[%add3A_152, %dma_start3A_156] : memref<256x100xi32, #tpu.memory_space<vmem>> -> memref<1x100xi32, #tpu.memory_space<vmem>>
      %dma_start3A_158 = tpu.memref_squeeze %dma_start3A_157 : memref<1x100xi32, #tpu.memory_space<vmem>> -> memref<100xi32, #tpu.memory_space<vmem>>
      %dma_start3A_159 = arith.constant 0 : i32
      %dma_start3A_160 = arith.constant 0 : i32
      %dma_start3A_161 = tpu.memref_slice %arg3[%dma_start3A_159, %dma_start3A_160] : memref<100000x64xf32, #tpu.memory_space<hbm>> -> memref<100000x64xf32, #tpu.memory_space<hbm>>
      tpu.enqueue_indirect_dma source(%dma_start3A_161 : memref<100000x64xf32, #tpu.memory_space<hbm>>) target(%dma_start3A_155 : memref<100x64xf32, #tpu.memory_space<vmem>>) offsets(%dma_start3A_158 : memref<100xi32, #tpu.memory_space<vmem>>) semaphore(%arg11 : memref<!tpu.dma_semaphore, #tpu.memory_space<semaphore_mem>>)
    }
    %scan3A_52 = arith.constant 64 : i32
    %dma_wait3A = arith.constant 0 : i32
    %dma_wait3A_53 = arith.constant 0 : i32
    %dma_wait3A_54 = tpu.memref_slice %arg3[%dma_wait3A, %dma_wait3A_53] : memref<100000x64xf32, #tpu.memory_space<hbm>> -> memref<200x64xf32, #tpu.memory_space<hbm>>
    %dma_wait3A_55 = arith.constant 0 : i32
    %dma_wait3A_56 = arith.constant 0 : i32
    %dma_wait3A_57 = tpu.memref_slice %arg3[%dma_wait3A_55, %dma_wait3A_56] : memref<100000x64xf32, #tpu.memory_space<hbm>> -> memref<200x64xf32, #tpu.memory_space<hbm>>
    tpu.wait_dma2 semaphore(%arg10 : memref<!tpu.dma_semaphore, #tpu.memory_space<semaphore_mem>>) src(%dma_wait3A_57 : memref<200x64xf32, #tpu.memory_space<hbm>>) dst(%arg8 : memref<200x64xf32, #tpu.memory_space<vmem>>)
    %dma_wait3A_58 = arith.constant 0 : i32
    %dma_wait3A_59 = arith.constant 0 : i32
    %dma_wait3A_60 = tpu.memref_slice %arg3[%dma_wait3A_58, %dma_wait3A_59] : memref<100000x64xf32, #tpu.memory_space<hbm>> -> memref<200x64xf32, #tpu.memory_space<hbm>>
    %dma_wait3A_61 = arith.constant 0 : i32
    %dma_wait3A_62 = arith.constant 0 : i32
    %dma_wait3A_63 = tpu.memref_slice %arg3[%dma_wait3A_61, %dma_wait3A_62] : memref<100000x64xf32, #tpu.memory_space<hbm>> -> memref<200x64xf32, #tpu.memory_space<hbm>>
    tpu.wait_dma2 semaphore(%arg11 : memref<!tpu.dma_semaphore, #tpu.memory_space<semaphore_mem>>) src(%dma_wait3A_63 : memref<200x64xf32, #tpu.memory_space<hbm>>) dst(%arg9 : memref<200x64xf32, #tpu.memory_space<vmem>>)
    return
  }
}

</mosaic_0001>

<sc_bundles>
// kernel: kernel.3.cloned.1.call-start
scs
__scs_entry_jumppad:
0x0: {  	(pc) =	sbr.rel $0x88, $3  }
0x1: {  	(tag) =	ssettag $0x0;
	lr =	simm.s32 $0x1  }
0x2: {  	[smem:$0x3F9E] =	sst lr;
	_ =	strace $0xD0000000  }
0x3: {  	_ = 	snop  }
0x4: {  	_ = 	snop  }
0x5: {  	_ = 	snop  }
0x6: {  	_ = 	snop  }
0x7: {  	_ = 	snop  }
__scs_overlays_trampoline_lowered:
0x8: {  	[smem:$0x3FAD] =	sst s0  }
0x9: {  	[smem:$0x3FAE] =	sst s1  }
0xa: {  	[smem:$0x3FAF] =	sst s2  }
0xb: {  	[smem:$0x3FB0] =	sst s3  }
0xc: {  	[smem:$0x3FB1] =	sst s4  }
0xd: {  	[smem:$0x3FB2] =	sst s5  }
0xe: {  	[smem:$0x3FB3] =	sst s6  }
0xf: {  	[smem:$0x3FB4] =	sst s7  }
0x10: {  	[smem:$0x3FB5] =	sst s8  }
0x11: {  	[smem:$0x3FB6] =	sst s9;
	s0 =	simm.s32 @!p0 $0x0  }
0x12: {  	s1 =	sld [smem:$0x3F9C];
	s0 =	simm.s32 @p0 $0x1  }
0x13: {  	[smem:$0x3FB7] =	sst s0;
	s0 =	simm.s32 @!p1 $0x0  }
0x14: {  	s2 =	sld [smem:$0x3F9B];
	s0 =	simm.s32 @p1 $0x1  }
0x15: {  	[smem:$0x3FB8] =	sst s0;
	s0 =	simm.s32 @!p2 $0x0  }
0x16: {  	s3 =	sld [smem:$0x3FDB];
	s0 =	simm.s32 @p2 $0x1  }
0x17: {  	s4 =	simm.s32 $0x1BF5;
	[smem:$0x3FBA] =	sst s0  }
0x18: {  	s0 =	sld [smem:$0x3F9D];
	_ =	swait.ge [sflag:s4], $0x0  }
0x19: {  	s7 =	sld [smem:$0x3F9E]  }
0x1a: {  	s8 =	sadd.s32 $0xFFFFE003, lr  }
0x1b: {  	s9 =	sadd.s32 $0xFFFFFEF7, lr;
	s5 =	simm.s32 $0xFFFFFFFF;
	p2 =	slt.u32 s8, $0xFFFFF086  }
0x1c: {  	p1 =	slt.u32 s9, $0xF7A;
	s5 =	simm.s32 @!p2 $0x0  }
0x1d: {  	s5 =	simm.s32 @p1 $0x1;
	p0 =	seq.s32 s7, s2  }
0x1e: {  	s7 =	smul.u32 @!p0 $0xF7A, s2;
	p2 =	seq.s32 @!p0 s5, $0x0  }
0x1f: {  	s9 =	smul.u32 $0xF7A, s1;
	s8 =	simm.s32 @!p0 $0x1BF5;
	p2 =	por !p2, p0  }
0x20: {  	[sflag:s8] =	ssyncset.s32 @!p0 $0xFFFFF086;
	s6 =	sadd.s32 @!p0 s3, s7;
	s7 =	simm.s32 @!p0 $0x108  }
0x21: {  	s3 =	sadd.s32 s3, s9;
	s6 =	sadd.s32 @!p0 $0x88, s6;
	s7 =	simm.s32 @p2 $0x1082  }
0x22: {  	[simem:s7], [sflag:s8] =	dma.local @!p0 [hbm:s6], $0xF7A  }
0x23: {  	s9 =	sor.u32 $0xD0000000, s2;
	s6 =	simm.s32 $0x108;
	_ =	swait.ge @!p0 [sflag:s8], $0x0  }
0x24: {  	s3 =	sadd.s32 $0x88, s3;
	s6 =	simm.s32 @!p1 $0x1082;
	[sflag:s4] =	ssyncset.s32 $0xFFFFF086  }
0x25: {  	[simem:s6], [sflag:s4] =	dma.local [hbm:s3], $0xF7A  }
0x26: {  	[smem:$0x3F9E] =	sst s1;
	(tag) =	ssettag s2;
	_ =	strace s9  }
0x27: {  	s1 =	sld [smem:$0x3FAE]  }
0x28: {  	s2 =	sld [smem:$0x3FAF]  }
0x29: {  	s4 =	sld [smem:$0x3FB1]  }
0x2a: {  	p0 =	seq.s32 s5, $0x0;
	s5 =	sld [smem:$0x3FB2]  }
0x2b: {  	s6 =	sld [smem:$0x3FB3]  }
0x2c: {  	s7 =	sld [smem:$0x3FB4]  }
0x2d: {  	s3 =	simm.s32 $0x108;
	s8 =	sld [smem:$0x3FB5]  }
0x2e: {  	s3 =	simm.s32 @!p0 $0x1082;
	s9 =	sld [smem:$0x3FB6]  }
0x2f: {  	lr =	sadd.s32 s0, s3;
	s0 =	sld [smem:$0x3FAD]  }
0x30: {  	s3 =	sld [smem:$0x3FB0]  }
0x31: {  	[smem:$0x3FB9] =	sst s10  }
0x32: {  	s10 =	sld [smem:$0x3FB7];
	_ =	sdelay $0x3  }
0x33: {  	p0 =	seq.s32 s10, $0x1;
	s10 =	sld [smem:$0x3FB9];
	_ =	sdelay $0x3  }
0x34: {  	[smem:$0x3FB9] =	sst s10  }
0x35: {  	s10 =	sld [smem:$0x3FB8];
	_ =	sdelay $0x3  }
0x36: {  	p1 =	seq.s32 s10, $0x1;
	s10 =	sld [smem:$0x3FB9];
	_ =	sdelay $0x3  }
0x37: {  	[smem:$0x3FB9] =	sst s10  }
0x38: {  	s10 =	sld [smem:$0x3FBA]  }
0x39: {  	_ = 	snop;
	(pc) =	sbr.ind lr, $3  }
0x3a: {  	_ = 	snop  }
0x3b: {  	_ = 	snop  }
0x3c: {  	p2 =	seq.s32 s10, $0x1;
	s10 =	sld [smem:$0x3FB9]  }
0x3d: {  	_ =	shalt  }
0x3e: {  	_ =	shalt  }
0x3f: {  	_ =	shalt  }
0x40: {  	_ =	shalt  }
0x41: {  	_ =	shalt  }
0x42: {  	_ =	shalt  }
0x43: {  	_ =	shalt  }
0x44: {  	_ =	shalt  }
0x45: {  	_ =	shalt  }
0x46: {  	_ =	shalt  }
0x47: {  	_ =	shalt  }
0x48: {  	_ =	shalt  }
0x49: {  	_ =	shalt  }
0x4a: {  	_ =	shalt  }
0x4b: {  	_ =	shalt  }
0x4c: {  	_ =	shalt  }
0x4d: {  	_ =	shalt  }
0x4e: {  	_ =	shalt  }
0x4f: {  	_ =	shalt  }
0x50: {  	_ =	shalt  }
0x51: {  	_ =	shalt  }
0x52: {  	_ =	shalt  }
0x53: {  	_ =	shalt  }
0x54: {  	_ =	shalt  }
0x55: {  	_ =	shalt  }
0x56: {  	_ =	shalt  }
0x57: {  	_ =	shalt  }
0x58: {  	_ =	shalt  }
0x59: {  	_ =	shalt  }
0x5a: {  	_ =	shalt  }
0x5b: {  	_ =	shalt  }
0x5c: {  	_ =	shalt  }
0x5d: {  	_ =	shalt  }
0x5e: {  	_ =	shalt  }
0x5f: {  	_ =	shalt  }
0x60: {  	_ =	shalt  }
0x61: {  	_ =	shalt  }
0x62: {  	_ =	shalt  }
0x63: {  	_ =	shalt  }
0x64: {  	_ =	shalt  }
0x65: {  	_ =	shalt  }
0x66: {  	_ =	shalt  }
0x67: {  	_ =	shalt  }
0x68: {  	_ =	shalt  }
0x69: {  	_ =	shalt  }
0x6a: {  	_ =	shalt  }
0x6b: {  	_ =	shalt  }
0x6c: {  	_ =	shalt  }
0x6d: {  	_ =	shalt  }
0x6e: {  	_ =	shalt  }
0x6f: {  	_ =	shalt  }
0x70: {  	_ =	shalt  }
0x71: {  	_ =	shalt  }
0x72: {  	_ =	shalt  }
0x73: {  	_ =	shalt  }
0x74: {  	_ =	shalt  }
0x75: {  	_ =	shalt  }
0x76: {  	_ =	shalt  }
0x77: {  	_ =	shalt  }
0x78: {  	_ =	shalt  }
0x79: {  	_ =	shalt  }
0x7a: {  	_ =	shalt  }
0x7b: {  	_ =	shalt  }
0x7c: {  	_ =	shalt  }
0x7d: {  	_ =	shalt  }
0x7e: {  	_ =	shalt  }
0x7f: {  	_ =	shalt  }
0x80: {  	_ =	shalt  }
0x81: {  	_ =	shalt  }
0x82: {  	_ =	shalt  }
0x83: {  	_ =	shalt  }
0x84: {  	_ =	shalt  }
0x85: {  	_ =	shalt  }
0x86: {  	_ =	shalt  }
0x87: {  	_ =	shalt  }
.Lfunc_end0:
.L_simem_size_0:
called_computation.1_lowered:
.L_overlay_start_0:
0x88: {  	s2 =	sld [smem:$0x3FD9]  }
0x89: {  	s3 =	sld [smem:$0x3FFE];
	_ =	sdelay $0x1  }
0x8a: {  	s1 =	srdreg.scid  }
0x8b: {  	s0 =	sand.u32 $0x1, s1  }
0x8c: {  	s17 =	sshll.u32 s0, $0xA;
	s2 =	sadd.s32 s3, s2  }
0x8d: {  	s2 =	sadd.s32 s2, s17  }
0x8e: {  	[smem:$0x3FC5] =	sst s2  }
0x8f: {  	_ = 	snop  }
0x90: {  	s2 =	sld [smem:$0x3FD0];
	(tm) =	ssettm $0x1  }
0x91: {  	s18 =	sld [smem:$0x3FFB];
	_ =	sdelay $0x3  }
0x92: {  	_ =	strace s18  }
0x93: {  	s3 =	sld [smem:$0x3FFC];
	_ =	sdelay $0x3  }
0x94: {  	_ =	strace s3  }
0x95: {  	s3 =	sld [smem:$0x3FFD];
	_ =	sdelay $0x3  }
0x96: {  	_ =	strace s3  }
0x97: {  	_ =	strace $0x8FFFFFFF  }
0x98: {  	s19 =	sld [smem:$0x3FDB];
	_ =	sdelay $0x1  }
0x99: {  	s4 =	simm.s32 $_scs_section_size  }
0x9a: {  	s5 =	simm.s32 $_size__tile_overlayer_lowered;
	s6 =	simm.s32 $_tile_overlayer_lowered  }
0x9b: {  	s22 =	simm.s32 $0x1BFF;
	s21 =	sshll.u32 s6, $0x1;
	s3 =	sadd.s32 s4, s19  }
0x9c: {  	s7 =	simm.s32 $0x0;
	s20 =	sshll.u32 s5, $0x1;
	s5 =	sadd.s32 s21, s3  }
0x9d: {  	[timem:s7], [sflag:s22] =	dma.local [hbm:s5], s20  }
0x9e: {  	_ =	swait.ge [sflag:s22], s20  }
0x9f: {  	s4 =	ssub.s32 $0x0, s20;
	[sflag:s22] =	ssyncset.done $0x0  }
0xa0: {  	[sflag:s22] =	ssyncadd.s32 s4;
	_ =	sdelay $0x1  }
0xa1: {  	s23 =	simm.s32 $0x1B8B  }
0xa2: {  	_ =	swait.ge [sflag:s23], $0x1  }
0xa3: {  	[sflag:s23] =	ssyncset.done $0x0  }
0xa4: {  	s25 =	simm.s32 $0x1B8E;
	s24 =	sld [smem:$0x3FFE];
	[sflag:s23] =	ssyncadd.s32 $0xFFFFFFFF  }
0xa5: {  	s26 =	simm.s32 $execute0_lowered;
	[smem:$0x3FD2] =	sst s25  }
0xa6: {  	s5 =	sshll.u32 s26, $0x1;
	_ =	strace $0x80000046;
	[dreg:$0x1] =	wrdreg $0xFFFFFFFF  }
0xa7: {  	s28 =	simm.s32 $_size_execute0_lowered;
	s3 =	sadd.s32 s3, s5;
	[dreg:$0x0] =	wrdreg $0x0  }
0xa8: {  	s5 =	sshll.u32 s28, $0x1;
	[dreg:$0x2] =	wrdreg s3  }
0xa9: {  	[dreg:$0x3] =	wrdreg s5  }
0xaa: {  	[dreg:$0x4] =	wrdreg $0xC0  }
0xab: {  	_ =	task [dreg:s7], $0x5FFFF  }
0xac: {  	[dreg:$0x1] =	wrdreg $0xFFFFFFFF  }
0xad: {  	[dreg:$0x0] =	wrdreg $0x60  }
0xae: {  	[dreg:$0x2] =	wrdreg s24  }
0xaf: {  	[dreg:$0x3] =	wrdreg s2  }
0xb0: {  	[dreg:$0x4] =	wrdreg $0x9  }
0xb1: {  	_ =	task.clear_ibuf [dreg:s7], $0x5FFFF;
	_ =	strace $0x90000046  }
0xb2: {  	s29 =	simm.s32 $0x9;
	_ =	strace $0x80000048  }
0xb3: {  	_ =	swait.ge [sflag:s29], $0x1  }
0xb4: {  	[sflag:s29] =	ssyncadd.s32 $0xFFFFFFFF  }
0xb5: {  	_ =	strace $0x90000048  }
0xb6: {  	_ =	sfence  }
0xb7: {  	s30 =	sld [smem:$0x0];
	_ =	sdelay $0x2  }
0xb8: {  	s31 =	sshll.u32 s1, $0xD;
	s1 =	sshrl.u32 s1, $0x2  }
0xb9: {  	s3 =	sand.u32 $0x4000, s31;
	s1 =	sadd.s32 s1, s30  }
0xba: {  	s0 =	sor.u32 s3, s0;
	s1 =	sshll.u32 s1, $0x11  }
0xbb: {  	s0 =	sor.u32 s1, s0  }
0xbc: {  	s0 =	sadd.s32 $0x8F2B, s0  }
0xbd: {  	[sflag:s0] =	ssyncadd.remote.s32 $0x1  }
0xbe: {  	_ =	sfence.sel $0xFFFF  }
0xbf: {  	[dreg:$0x0] =	wrdreg $0xFFFFFFFF;
	(pc) =	sbr.abs _section_cstart, $3  }
0xc0: {  	[dreg:$0x1] =	wrdreg $0xFFFFFFFF  }
0xc1: {  	_ =	task.clear_ibuf [dreg:s7], $0x2FFFF;
	_ =	strace $0x9FFFFFFF  }
0xc2: {  	(tm) =	ssettm $0x7FFFFFFF  }
0xc3: {  	_ =	shalt  }
tec
execute0_lowered:
.L_overlay_start_1:
0x0: {  	(tag) =	ssettag $0x1  }
0x1: {  	s1 =	srdreg.scid;
	s6 =	rddreg [dreg:$0x0]  }
0x2: {  	s0 =	stileid.u32;
	s2 =	rddreg [dreg:$0x1];
	s3 =	simm.s32 $0x0  }
0x3: {  	s10 =	simm.s32 $0x6800;
	s11 =	simm.s32 $0x3;
	s12 =	simm.s32 $0x64  }
0x4: {  	s13 =	simm.s32 $0x9A00;
	s14 =	simm.s32 $0x68;
	s15 =	simm.s32 $0xB300  }
0x5: {  	s16 =	simm.s32 $0xD0;
	s17 =	simm.s32 $0xCC00;
	s18 =	simm.s32 $0x138  }
0x6: {  	s19 =	simm.s32 $0xE500;
	s20 =	simm.s32 $0x1;
	s21 =	simm.s32 $0x2  }
0x7: {  	s4 =	sand.u32 $0x1, s1;
	s31 =	sshll.u32 s0, $0x1;
	s1 =	rddreg [dreg:$0x2]  }
0x8: {  	s22 =	simm.s32 $0x0;
	[smem:$0x7FF] =	sst s3;
	s5 =	sor.u32 s4, s31  }
0x9: {  	_ =	strace $0x80000047;
	s8 =	ssub.s32 $0x2, s4;
	s7 =	smul.u32 $0xD00, s5  }
0xa: {  	s4 =	sadd.s32 $0x1B200, s6;
	s9 =	sshrl.u32 s8, $0x1;
	s5 =	smul.u32 $0x6400, s5  }
0xb: {  	s9 =	ssub.s32 s8, s9;
	s7 =	sadd.s32 s7, s6;
	s6 =	sadd.s32 $0xA00, s6  }
0xc: {  	s8 =	sor.u32 $0xC8, s5;
	s9 =	smax.u32 s9, $0x1;
	s7 =	sadd.s32 $0x1200, s7  }
.LBB2_1:
0xd: {  	[tilespmem:s10], [sflag:$0x3] =	stream.linear.gather [hbm4b:s6+s3], $0x3200, $0x38;
	[tilespmem:$0xFE00] =	vst v63  }
0xe: {  	_ =	swait.ge [sflag:s11], $0x3200  }
0xf: {  	[sflag:s11] =	ssyncset.done $0x0  }
0x10: {  	[sflag:s11] =	ssyncadd.s32 $0xFFFFCE00  }
0x11: {  	[tilespmem:s3], [sflag:$0x3] =	stream.linear.gather [hbm4b:s7+s3], $0x6800, $0x38;
	[tilespmem:$0xFE00] =	vst v63  }
0x12: {  	_ =	swait.ge [sflag:s11], $0x6800  }
0x13: {  	[sflag:s11] =	ssyncset.done $0x0  }
0x14: {  	[sflag:s11] =	ssyncadd.s32 $0xFFFF9800  }
0x15: {  	[tilespmem:s13], [sflag:$0x1] =	stream.indirect.gather [hbm4b:s4+s12], $0x40, s3, s12, $0xb8;
	[tilespmem:$0xFE00] =	vst v63  }
0x16: {  	_ = 	snop  }
0x17: {  	[tilespmem:s15], [sflag:$0x1] =	stream.indirect.gather [hbm4b:s4+s12], $0x40, s14, s12, $0xb8;
	[tilespmem:$0xFE00] =	vst v63  }
0x18: {  	_ = 	snop  }
0x19: {  	[tilespmem:s17], [sflag:$0x2] =	stream.indirect.gather [hbm4b:s4+s12], $0x40, s16, s12, $0xb8;
	[tilespmem:$0xFE00] =	vst v63  }
0x1a: {  	s23 =	simm.s32 $0x0  }
0x1b: {  	[tilespmem:s19], [sflag:$0x2] =	stream.indirect.gather [hbm4b:s4+s12], $0x40, s18, s12, $0xb8;
	[tilespmem:$0xFE00] =	vst v63  }
.LBB2_2:
0x1c: {  	_ =	swait.ge [sflag:s20], $0x3200  }
0x1d: {  	[sflag:s20] =	ssyncset.done $0x0  }
0x1e: {  	s24 =	simm.s32 $0x0;
	[sflag:s20] =	ssyncadd.s32 $0xFFFFCE00  }
0x1f: {  	v1 =	vld [tilespmem:s24+$0x6830]  }
0x20: {  	v2 =	vld [tilespmem:s24+$0x6800]  }
0x21: {  	v3 =	vld [tilespmem:s24+$0x6810]  }
0x22: {  	v0 =	vld [tilespmem:s24+$0x6820];
	_ =	sdelay $0x1  }
0x23: {  	[tilespmem:s24+$0x9A30] =	vst.add.f32.msk $0xffff, v1  }
0x24: {  	[tilespmem:s24+$0x9A00] =	vst.add.f32.msk $0xffff, v2  }
0x25: {  	s25 =	simm.s32 $0x40;
	s26 =	simm.s32 $0x200;
	[tilespmem:s24+$0x9A10] =	vst.add.f32.msk $0xffff, v3  }
.LBB2_3:
0x26: {  	p0 =	sne.s32 s26, $0xC700;
	v1 =	vld [tilespmem:s25+$0x6830];
	v2 =	vmov v0  }
0x27: {  	v3 =	vld [tilespmem:s25+$0x6800]  }
0x28: {  	v4 =	vld [tilespmem:s25+$0x6810]  }
.Ltmp0:
0x29: {  	v0 =	vld [tilespmem:s25+$0x6820];
	(pc) =	sbr.rel @p0 .LBB2_3-.Ltmp0, $4  }
0x2a: {  	[tilespmem:s24+$0x9A20] =	vst.add.f32.msk $0xffff, v2;
	s24 =	smov.u32 s25  }
0x2b: {  	[tilespmem:s24+$0x9A30] =	vst.add.f32.msk $0xffff, v1  }
0x2c: {  	[tilespmem:s24+$0x9A00] =	vst.add.f32.msk $0xffff, v3  }
0x2d: {  	s25 =	sshra.s32 s26, $0x2;
	s26 =	sadd.s32 $0x100, s26;
	[tilespmem:s24+$0x9A10] =	vst.add.f32.msk $0xffff, v4  }
0x2e: {  	v1 =	vld [tilespmem:s25+$0x6830]  }
0x2f: {  	v2 =	vld [tilespmem:s25+$0x6800]  }
0x30: {  	v3 =	vld [tilespmem:s25+$0x6810]  }
0x31: {  	v4 =	vld [tilespmem:s25+$0x6820]  }
0x32: {  	[tilespmem:s24+$0x9A20] =	vst.add.f32.msk $0xffff, v0;
	s24 =	smul.u32 $0x190, s23  }
0x33: {  	[tilespmem:s25+$0x9A30] =	vst.add.f32.msk $0xffff, v1  }
0x34: {  	s26 =	sadd.s32 s5, s24;
	[tilespmem:s25+$0x9A00] =	vst.add.f32.msk $0xffff, v2  }
0x35: {  	s26 =	sshll.u32 s26, $0x3;
	[tilespmem:s25+$0x9A10] =	vst.add.f32.msk $0xffff, v3  }
0x36: {  	s28 =	simm.s32 $0x0;
	s26 =	sadd.s32 s2, s26;
	[tilespmem:s25+$0x9A20] =	vst.add.f32.msk $0xffff, v4;
	s25 =	smul.u32 $0x680, s23  }
0x37: {  	[hbm4b:s26+s28] =	stream.linear.scatter [tilespmem:s13], [sflag:$0x3], $0x3200, $0x38;
	[tilespmem:$0xFE00] =	vst v63  }
0x38: {  	p0 =	seq.s32 s23, $0x3F;
	_ =	swait.ge [sflag:s11], $0x3200;
	s26 =	sadd.s32 $0x680, s25  }
0x39: {  	[sflag:s11] =	ssyncset.done $0x0;
	s26 =	simm.s32 @p0 $0x0  }
0x3a: {  	[sflag:s11] =	ssyncadd.s32 $0xFFFFCE00;
	s26 =	sshra.s32 s26, $0x2  }
0x3b: {  	[tilespmem:s13], [sflag:$0x1] =	stream.indirect.gather [hbm4b:s4+s12], $0x40, s26, s12, $0xb8;
	[tilespmem:$0xFE00] =	vst v63  }
0x3c: {  	s26 =	sadd.s32 $0x68, s26  }
0x3d: {  	[tilespmem:s15], [sflag:$0x1] =	stream.indirect.gather [hbm4b:s4+s12], $0x40, s26, s12, $0xb8;
	[tilespmem:$0xFE00] =	vst v63  }
0x3e: {  	_ =	swait.ge [sflag:s21], $0x3200  }
0x3f: {  	[sflag:s21] =	ssyncset.done $0x0  }
0x40: {  	s26 =	simm.s32 $0x0;
	[sflag:s21] =	ssyncadd.s32 $0xFFFFCE00  }
0x41: {  	v1 =	vld [tilespmem:s26+$0x6830]  }
0x42: {  	v2 =	vld [tilespmem:s26+$0x6800]  }
0x43: {  	v3 =	vld [tilespmem:s26+$0x6810]  }
0x44: {  	v0 =	vld [tilespmem:s26+$0x6820];
	_ =	sdelay $0x1  }
0x45: {  	[tilespmem:s26+$0xCC30] =	vst.add.f32.msk $0xffff, v1  }
0x46: {  	[tilespmem:s26+$0xCC00] =	vst.add.f32.msk $0xffff, v2  }
0x47: {  	s29 =	simm.s32 $0x200;
	s28 =	simm.s32 $0x40;
	[tilespmem:s26+$0xCC10] =	vst.add.f32.msk $0xffff, v3  }
.LBB2_5:
0x48: {  	p1 =	sne.s32 s29, $0xC700;
	v1 =	vld [tilespmem:s28+$0x6830];
	v2 =	vmov v0  }
0x49: {  	v3 =	vld [tilespmem:s28+$0x6800]  }
0x4a: {  	v4 =	vld [tilespmem:s28+$0x6810]  }
.Ltmp1:
0x4b: {  	v0 =	vld [tilespmem:s28+$0x6820];
	(pc) =	sbr.rel @p1 .LBB2_5-.Ltmp1, $4  }
0x4c: {  	[tilespmem:s26+$0xCC20] =	vst.add.f32.msk $0xffff, v2;
	s26 =	smov.u32 s28  }
0x4d: {  	[tilespmem:s26+$0xCC30] =	vst.add.f32.msk $0xffff, v1  }
0x4e: {  	[tilespmem:s26+$0xCC00] =	vst.add.f32.msk $0xffff, v3  }
0x4f: {  	s28 =	sshra.s32 s29, $0x2;
	s29 =	sadd.s32 $0x100, s29;
	[tilespmem:s26+$0xCC10] =	vst.add.f32.msk $0xffff, v4  }
0x50: {  	v1 =	vld [tilespmem:s28+$0x6830]  }
0x51: {  	v2 =	vld [tilespmem:s28+$0x6800]  }
0x52: {  	v3 =	vld [tilespmem:s28+$0x6810]  }
0x53: {  	v4 =	vld [tilespmem:s28+$0x6820]  }
0x54: {  	[tilespmem:s26+$0xCC20] =	vst.add.f32.msk $0xffff, v0  }
0x55: {  	s24 =	sadd.s32 s24, s8;
	[tilespmem:s28+$0xCC30] =	vst.add.f32.msk $0xffff, v1  }
0x56: {  	s24 =	sshll.u32 s24, $0x3;
	[tilespmem:s28+$0xCC00] =	vst.add.f32.msk $0xffff, v2  }
0x57: {  	s24 =	sand.u32 $0x1FFFFFC0, s24;
	[tilespmem:s28+$0xCC10] =	vst.add.f32.msk $0xffff, v3  }
0x58: {  	s24 =	sadd.s32 s2, s24;
	[tilespmem:s28+$0xCC20] =	vst.add.f32.msk $0xffff, v4  }
0x59: {  	[hbm4b:s24+s3] =	stream.linear.scatter [tilespmem:s17], [sflag:$0x3], $0x3200, $0x38;
	[tilespmem:$0xFE00] =	vst v63  }
0x5a: {  	s23 =	sadd.s32 $0x1, s23;
	s24 =	sadd.s32 $0x9C0, s25  }
0x5b: {  	_ =	swait.ge [sflag:s11], $0x3200;
	s24 =	simm.s32 @p0 $0x340;
	p0 =	sne.s32 s23, $0x40  }
.Ltmp2:
0x5c: {  	[sflag:s11] =	ssyncset.done $0x0;
	(pc) =	sbr.rel @p0 .LBB2_2-.Ltmp2, $4  }
0x5d: {  	s24 =	sshra.s32 s24, $0x2;
	[sflag:s11] =	ssyncadd.s32 $0xFFFFCE00  }
0x5e: {  	[tilespmem:s17], [sflag:$0x2] =	stream.indirect.gather [hbm4b:s4+s12], $0x40, s24, s12, $0xb8;
	[tilespmem:$0xFE00] =	vst v63  }
0x5f: {  	s24 =	sadd.s32 $0x68, s24  }
0x60: {  	[tilespmem:s19], [sflag:$0x2] =	stream.indirect.gather [hbm4b:s4+s12], $0x40, s24, s12, $0xb8;
	[tilespmem:$0xFE00] =	vst v63  }
0x61: {  	s22 =	sadd.s32 $0x1, s22  }
0x62: {  	_ =	swait.ge [sflag:s20], $0x3200;
	p0 =	sne.s32 s22, s9  }
.Ltmp3:
0x63: {  	[sflag:s20] =	ssyncset.done $0x0;
	(pc) =	sbr.rel @p0 .LBB2_1-.Ltmp3, $4  }
0x64: {  	[sflag:s20] =	ssyncadd.s32 $0xFFFFCE00  }
0x65: {  	_ =	swait.ge [sflag:s21], $0x3200  }
0x66: {  	[sflag:s21] =	ssyncset.done $0x0  }
0x67: {  	[sflag:s21] =	ssyncadd.s32 $0xFFFFCE00  }
0x68: {  	_ =	sfence.sel $0x180000  }
0x69: {  	[bflag:$0x0] =	sbarrier.arrive $0xFFFF  }
0x6a: {  	p0 =	sne.s32 s0, $0x0;
	_ =	strace $0x90000047  }
0x6b: {  	s0 =	sadd.s32 @!p0 $0x100000, s1;
	[bflag:$0x2] =	sbarrier.arrive $0xFFFF  }
0x6c: {  	[sflag:s0] =	ssyncadd.tile.s32 @!p0 $0x1;
	_ =	shalt  }
.Lfunc_end2:
_tile_overlayer_lowered:
.L_overlay_start_2:
0x6d: {  	(tag) =	ssettag $0x2  }
0x6e: {  	s0 =	rddreg [dreg:$0x0];
	s2 =	stileid.u32  }
0x6f: {  	s1 =	rddreg [dreg:$0x1];
	p0 =	sne.s32 s2, $0x0  }
0x70: {  	s3 =	rddreg [dreg:$0x2];
	[bflag:$0x3] =	sbarrier.arrive $0xFFFF;
	s2 =	simm.s32 @!p0 $0x1C03  }
0x71: {  	[timem:s3], [sflag:s2] =	dma.local @!p0 [hbm:s0], s1  }
0x72: {  	s0 =	simm.s32 @!p0 $0x3  }
0x73: {  	_ =	swait.ge @!p0 [sflag:s0], s1  }
0x74: {  	s1 =	ssub.s32 @!p0 $0x0, s1;
	[sflag:s0] =	ssyncset.done @!p0 $0x0  }
0x75: {  	[sflag:s0] =	ssyncadd.s32 @!p0 s1  }
0x76: {  	[bflag:$0x3] =	sbarrier.arrive $0xFFFF  }
0x77: {  	_ =	shalt  }

// kernel: sparse-core-data-format-call.cloned.1.call-start
scs
called_computation_lowered:
.L_overlay_start_0:
0x0: {  	s2 =	sld [smem:$0x3FD9]  }
0x1: {  	s3 =	sld [smem:$0x3FFE];
	_ =	sdelay $0x1  }
0x2: {  	s1 =	srdreg.scid  }
0x3: {  	s0 =	sand.u32 $0x1, s1  }
0x4: {  	s18 =	sshll.u32 s0, $0xA;
	s2 =	sadd.s32 s3, s2  }
0x5: {  	s2 =	sadd.s32 s2, s18  }
0x6: {  	[smem:$0x3FC5] =	sst s2  }
0x7: {  	_ = 	snop  }
0x8: {  	s2 =	sld [smem:$0x3FD0];
	(tm) =	ssettm $0x1  }
0x9: {  	s19 =	sld [smem:$0x3FFB];
	_ =	sdelay $0x3  }
0xa: {  	_ =	strace s19  }
0xb: {  	s3 =	sld [smem:$0x3FFC];
	_ =	sdelay $0x3  }
0xc: {  	_ =	strace s3  }
0xd: {  	s3 =	sld [smem:$0x3FFD];
	_ =	sdelay $0x3  }
0xe: {  	_ =	strace s3  }
0xf: {  	_ =	strace $0x8FFFFFFF  }
0x10: {  	s20 =	sld [smem:$0x3FDB];
	_ =	sdelay $0x1  }
0x11: {  	s4 =	simm.s32 $_scs_section_size  }
0x12: {  	s5 =	simm.s32 $_size__tile_overlayer_lowered;
	s6 =	simm.s32 $_tile_overlayer_lowered  }
0x13: {  	s23 =	simm.s32 $0x1BFF;
	s22 =	sshll.u32 s6, $0x1;
	s3 =	sadd.s32 s4, s20  }
0x14: {  	s7 =	simm.s32 $0x0;
	s21 =	sshll.u32 s5, $0x1;
	s5 =	sadd.s32 s22, s3  }
0x15: {  	[timem:s7], [sflag:s23] =	dma.local [hbm:s5], s21  }
0x16: {  	_ =	swait.ge [sflag:s23], s21  }
0x17: {  	s4 =	ssub.s32 $0x0, s21;
	[sflag:s23] =	ssyncset.done $0x0  }
0x18: {  	[sflag:s23] =	ssyncadd.s32 s4;
	_ =	sdelay $0x1  }
0x19: {  	s24 =	simm.s32 $0x1B8B  }
0x1a: {  	_ =	swait.ge [sflag:s24], $0x1  }
0x1b: {  	[sflag:s24] =	ssyncset.done $0x0  }
0x1c: {  	s26 =	simm.s32 $0x1B8E;
	s25 =	sld [smem:$0x3FFE];
	[sflag:s24] =	ssyncadd.s32 $0xFFFFFFFF  }
0x1d: {  	s27 =	simm.s32 $execute0_lowered;
	[smem:$0x3FD2] =	sst s26  }
0x1e: {  	s5 =	sshll.u32 s27, $0x1;
	_ =	strace $0x80000049;
	[dreg:$0x1] =	wrdreg $0xFFFFFFFF  }
0x1f: {  	s28 =	simm.s32 $_size_execute0_lowered;
	s3 =	sadd.s32 s3, s5;
	[dreg:$0x0] =	wrdreg $0x0  }
0x20: {  	s5 =	sshll.u32 s28, $0x1;
	[dreg:$0x2] =	wrdreg s3  }
0x21: {  	[dreg:$0x3] =	wrdreg s5  }
0x22: {  	[dreg:$0x4] =	wrdreg $0xC0  }
0x23: {  	_ =	task [dreg:s7], $0x5FFFF  }
0x24: {  	[dreg:$0x1] =	wrdreg $0xFFFFFFFF  }
0x25: {  	[dreg:$0x0] =	wrdreg $0x60  }
0x26: {  	[dreg:$0x2] =	wrdreg s25  }
0x27: {  	[dreg:$0x3] =	wrdreg s2  }
0x28: {  	[dreg:$0x4] =	wrdreg $0x9  }
0x29: {  	_ =	task.clear_ibuf [dreg:s7], $0x5FFFF;
	_ =	strace $0x90000049  }
0x2a: {  	s29 =	simm.s32 $0x9;
	_ =	strace $0x8000004B  }
0x2b: {  	_ =	swait.ge [sflag:s29], $0x1  }
0x2c: {  	[sflag:s29] =	ssyncadd.s32 $0xFFFFFFFF  }
0x2d: {  	_ =	strace $0x9000004B  }
0x2e: {  	_ =	sfence  }
0x2f: {  	s30 =	sld [smem:$0x0];
	_ =	sdelay $0x2  }
0x30: {  	s31 =	sshll.u32 s1, $0xD;
	s1 =	sshrl.u32 s1, $0x2  }
0x31: {  	s3 =	sand.u32 $0x4000, s31;
	s1 =	sadd.s32 s1, s30  }
0x32: {  	s0 =	sor.u32 s3, s0;
	s1 =	sshll.u32 s1, $0x11  }
0x33: {  	s0 =	sor.u32 s1, s0  }
0x34: {  	s0 =	sadd.s32 $0x8F2B, s0  }
0x35: {  	[sflag:s0] =	ssyncadd.remote.s32 $0x1  }
0x36: {  	_ =	sfence.sel $0xFFFF  }
0x37: {  	[dreg:$0x0] =	wrdreg $0xFFFFFFFF;
	(pc) =	sbr.abs _section_cstart, $3  }
0x38: {  	[dreg:$0x1] =	wrdreg $0xFFFFFFFF  }
0x39: {  	_ =	task.clear_ibuf [dreg:s7], $0x2FFFF;
	_ =	strace $0x9FFFFFFF  }
0x3a: {  	(tm) =	ssettm $0x7FFFFFFF  }
0x3b: {  	_ =	shalt  }
tec
execute0_lowered:
.L_overlay_start_1:
0x0: {  	(tag) =	ssettag $0x1  }
0x1: {  	s0 =	srdreg.scid  }
0x2: {  	s1 =	sshll.u32 s0, $0x4  }
0x3: {  	s0 =	stileid.u32;
	s1 =	sand.u32 $0x10, s1  }
0x4: {  	s1 =	sor.u32 s0, s1  }
0x5: {  	s6 =	rddreg [dreg:$0x0];
	s4 =	simm.s32 $0x1;
	s2 =	sshll.u32 s1, $0x7  }
0x6: {  	s7 =	simm.s32 $0x2;
	s12 =	simm.s32 $0x0;
	s1 =	ssub.s32 $0x1000, s2  }
0x7: {  	s8 =	simm.s32 $0x8000;
	s13 =	simm.s32 $0x0;
	s3 =	sand.u32 $0xF80, s1  }
0x8: {  	s9 =	simm.s32 $0x0;
	s5 =	sshrl.u32 s1, $0xC;
	p0 =	sne.s32 s3, $0x0  }
.Ltmp0:
0x9: {  	s1 =	rddreg [dreg:$0x2];
	s4 =	simm.s32 @!p0 $0x0;
	(pc) =	sbr.rel .LBB1_1-.Ltmp0, $4  }
0xa: {  	s11 =	simm.s32 $0x0;
	s3 =	rddreg [dreg:$0x1];
	s5 =	sadd.s32 s4, s5  }
0xb: {  	_ =	strace $0x8000004A;
	s4 =	simm.s32 $0x1;
	s5 =	smul.u32 $0xC8, s5  }
0xc: {  	s6 =	sadd.s32 $0xA00, s6;
	s10 =	smov.u32 s2;
	[sflag:s4] =	ssyncpa.u1 $0x0  }
0xd: {  	p0 =	por $0x0, $0x0;
	[sflag:s7] =	ssyncpa.u1 $0x0;
	s7 =	sor.u32 $0x1, s5  }
.LBB1_4:
0xe: {  	s16 =	sshll.u32 s13, $0x3;
	s17 =	sand.u32 $0x78, s13  }
0xf: {  	s30 =	sand.u32 $0x7E00, s13;
	s12 =	sshll.u32 s12, $0xF;
	s16 =	sand.u32 $0xC00, s16  }
0x10: {  	[tilespmem:s15+$0x810 ss:$0x81] =	vst.msk $0xffff, v2;
	s31 =	sand.u32 $0x7, s13;
	s16 =	sor.u32 s17, s16;
	s17 =	sadd.s32 s3, s30  }
0x11: {  	[tilespmem:s15+$0x1020 ss:$0x81] =	vst.msk $0xffff, v0;
	s13 =	sshll.u32 s31, $0x12;
	s12 =	sadd.s32 s12, s17;
	s16 =	sshrl.u32 s16, $0x3  }
0x12: {  	[tilespmem:s15+$0x0 ss:$0x81] =	vst.msk $0xffff, v1;
	s13 =	sor.u32 $0x400, s13;
	s12 =	sadd.s32 s16, s12  }
0x13: {  	[hbm4b:s12+s13] =	stream.strided.scatter [tilespmem:s14], [sflag:$0x2], $0x2000, s8, s13, $0x20;
	[tilespmem:$0x8080] =	vst v63  }
.LBB1_5:
0x14: {  	s14 =	sadd.s32 $0x1, s9  }
0x15: {  	s12 =	sadd.s32 $0x1000, s10;
	s16 =	smov.u32 s10;
	p2 =	sgt.s32 s14, $0xC7  }
0x16: {  	s16 =	smov.u32 @p2 s12  }
0x17: {  	s14 =	simm.s32 @p2 $0x0;
	p2 =	sgt.s32 s16, $0xFFF  }
0x18: {  	s16 =	smov.u32 @p2 s2;
	p2 =	sne.s32 s11, s7  }
.Ltmp1:
0x19: {  	p1 =	slt.u32 s11, $0x2;
	(pc) =	sbr.rel @!p2 .LBB1_6-.Ltmp1, $4  }
0x1a: {  	s15 =	simm.s32 @!p1 $0x2  }
0x1b: {  	s13 =	smov.u32 s10;
	p0 =	por !p0, !p0;
	_ =	swait.ge @!p1 [sflag:s15], $0x2000  }
0x1c: {  	s12 =	smov.u32 s9;
	[sflag:s15] =	ssyncset.done @!p1 $0x0;
	s9 =	smov.u32 s14  }
0x1d: {  	s11 =	sadd.s32 $0x1, s11;
	[sflag:s15] =	ssyncadd.s32 @!p1 $0xFFFFE000;
	s10 =	smov.u32 s16  }
.LBB1_1:
0x1e: {  	p1 =	sge.u32 s11, s5  }
0x1f: {  	s14 =	sand.u32 @!p1 $0x1FFFFFF, s9  }
0x20: {  	s15 =	smulhi.u32 @!p1 $0x147AE15, s14;
	_ =	sdelay $0x1  }
0x21: {  	s15 =	smul.u32 @!p1 $0xC8, s15  }
0x22: {  	s16 =	sxor.u32 @!p1 $0xFFFFFFFF, s11;
	s17 =	smul.u32 @!p1 $0xC80, s10  }
0x23: {  	s31 =	sadd.s32 $0xFFFFFFFF, s11;
	s16 =	sshll.u32 @!p1 s16, $0xD;
	s14 =	ssub.s32 @!p1 s14, s15  }
0x24: {  	s15 =	sand.u32 @!p1 $0x2000, s16;
	s16 =	sadd.s32 @!p1 s6, s17;
	s14 =	sshll.u32 @!p1 s14, $0x4  }
0x25: {  	s17 =	simm.s32 @!p1 $0x6400;
	s14 =	sadd.s32 @!p1 s14, s16;
	s16 =	simm.s32 @!p1 $0x40  }
0x26: {  	[tilespmem:s15], [sflag:$0x1] =	stream.strided.gather @!p1 [hbm4b:s14+s16], $0x2000, s17, s16, $0x38;
	[tilespmem:$0x8080] =	vst v63  }
0x27: {  	p1 =	sge.u32 s31, s5  }
.Ltmp2:
0x28: {  	_ = 	snop;
	(pc) =	sbr.rel @p1 .LBB1_5-.Ltmp2, $1  }
0x29: {  	_ =	sdelay $0x3  }
0x2a: {  	s14 =	simm.s32 $0x1  }
0x2b: {  	_ =	swait.ge [sflag:s4], $0x2000;
	s14 =	simm.s32 @!p0 $0x0  }
0x2c: {  	[sflag:s4] =	ssyncset.done $0x0;
	s15 =	sshll.u32 s14, $0xD  }
0x2d: {  	[sflag:s4] =	ssyncadd.s32 $0xFFFFE000;
	s18 =	sor.u32 $0x20, s15  }
0x2e: {  	s14 =	smul.u32 $0x8100, s14;
	v3 =	vld [tilespmem:s18+$0x10]  }
0x2f: {  	s30 =	sand.u32 $0x1, s11;
	v2 =	vld [tilespmem:s18+$0xFFFFFFF0]  }
0x30: {  	s15 =	smul.u32 $0x8100, s30;
	s14 =	sshrl.u32 s14, $0x2;
	v0 =	vld [tilespmem:s18+$0x0]  }
0x31: {  	v1 =	vld [tilespmem:s18+$0xFFFFFFE0];
	s16 =	sor.u32 $0x4000, s14  }
0x32: {  	s31 =	sshrl.u32 s15, $0x2;
	s15 =	sadd.s32 $0x0, s16  }
0x33: {  	s17 =	simm.s32 $0x4;
	s18 =	sadd.s32 $0x40, s18;
	s14 =	sor.u32 $0x4000, s31;
	[tilespmem:s15+$0x1830 ss:$0x81] =	vst.msk $0xffff, v3  }
.LBB1_3:
0x34: {  	v3 =	vld [tilespmem:s18+$0x10];
	p1 =	sne.s32 s17, $0x1FC;
	[tilespmem:s15+$0x810 ss:$0x81] =	vst.msk $0xffff, v2;
	s19 =	smov.u32 s17;
	s17 =	sadd.s32 $0x4, s17  }
.Ltmp3:
0x35: {  	v2 =	vld [tilespmem:s18+$0xFFFFFFF0];
	[tilespmem:s15+$0x1020 ss:$0x81] =	vst.msk $0xffff, v0;
	(pc) =	sbr.rel @p1 .LBB1_3-.Ltmp3, $4  }
0x36: {  	v0 =	vld [tilespmem:s18+$0x0];
	[tilespmem:s15+$0x0 ss:$0x81] =	vst.msk $0xffff, v1  }
0x37: {  	s15 =	sshra.s32 s19, $0x2;
	v1 =	vld [tilespmem:s18+$0xFFFFFFE0]  }
0x38: {  	s15 =	sadd.s32 s15, s16  }
0x39: {  	s18 =	sadd.s32 $0x40, s18;
	[tilespmem:s15+$0x1830 ss:$0x81] =	vst.msk $0xffff, v3  }
.Ltmp4:
0x3a: {  	_ = 	snop;
	(pc) =	sbr.rel .LBB1_4-.Ltmp4, $1  }
0x3b: {  	_ =	sdelay $0x3  }
.LBB1_6:
0x3c: {  	_ =	sfence.sel $0x180000  }
0x3d: {  	s2 =	simm.s32 $0x1;
	[bflag:$0x0] =	sbarrier.arrive $0xFFFF  }
0x3e: {  	s31 =	simm.s32 $0x2;
	[sflag:s2] =	ssyncpa.u1 $0x1  }
0x3f: {  	[sflag:s31] =	ssyncpa.u1 $0x1  }
0x40: {  	p0 =	sne.s32 s0, $0x0;
	_ =	strace $0x9000004A  }
0x41: {  	s0 =	sadd.s32 @!p0 $0x100000, s1;
	[bflag:$0x2] =	sbarrier.arrive $0xFFFF  }
0x42: {  	[sflag:s0] =	ssyncadd.tile.s32 @!p0 $0x1;
	_ =	shalt  }
.Lfunc_end1:
_tile_overlayer_lowered:
.L_overlay_start_2:
0x43: {  	(tag) =	ssettag $0x2  }
0x44: {  	s0 =	rddreg [dreg:$0x0];
	s2 =	stileid.u32  }
0x45: {  	s1 =	rddreg [dreg:$0x1];
	p0 =	sne.s32 s2, $0x0  }
0x46: {  	s3 =	rddreg [dreg:$0x2];
	[bflag:$0x3] =	sbarrier.arrive $0xFFFF;
	s2 =	simm.s32 @!p0 $0x1C01  }
0x47: {  	[timem:s3], [sflag:s2] =	dma.local @!p0 [hbm:s0], s1  }
0x48: {  	s0 =	simm.s32 @!p0 $0x1  }
0x49: {  	_ =	swait.ge @!p0 [sflag:s0], s1  }
0x4a: {  	s1 =	ssub.s32 @!p0 $0x0, s1;
	[sflag:s0] =	ssyncset.done @!p0 $0x0  }
0x4b: {  	[sflag:s0] =	ssyncadd.s32 @!p0 s1  }
0x4c: {  	[bflag:$0x3] =	sbarrier.arrive $0xFFFF  }
0x4d: {  	_ =	shalt  }

</sc_bundles>
